<compile_context>
chip_gen: v7x
topology: tpu7x:2x2x1
jax: 0.10.2.dev20260603
libtpu: 0.0.44.dev20260713+nightly
codegen_flags: <defaults>
</compile_context>

<pallas_src>
import jax
import jax.numpy as jnp
from jax import lax
from jax.experimental import pallas as pl
from jax.experimental.pallas import tpu as pltpu
from jax.experimental.pallas import tpu_sc as plsc

_NC = 2
_NS = 16
_NW = _NC * _NS

_ROWS = 1000000
_DIM = 32
_RPW = (_ROWS // _NW) // 32 * 32
_TAIL_BASE = _NW * _RPW
_TAIL_ROWS = _ROWS - _TAIL_BASE
_CHUNK = 256
_N_CHUNKS = _RPW // _CHUNK
_NBUF = 2
_TCHUNK = 192


def _sc_copy(in_hbm, out_hbm, buf, load_sems, store_sems):
    wid = lax.axis_index("s") * _NC + lax.axis_index("c")
    base = pl.multiple_of(wid * _RPW, 32)

    def body(k, carry):
        s = lax.rem(k, _NBUF)
        off = base + k * _CHUNK

        @pl.when(k >= _NBUF)
        def _():
            pltpu.make_async_copy(
                buf.at[s],
                out_hbm.at[pl.ds(0, _CHUNK)],
                store_sems.at[s],
            ).wait()

        lc = pltpu.make_async_copy(
            in_hbm.at[pl.ds(off, _CHUNK)], buf.at[s], load_sems.at[s]
        )
        lc.start()
        lc.wait()
        pltpu.make_async_copy(
            buf.at[s], out_hbm.at[pl.ds(off, _CHUNK)], store_sems.at[s]
        ).start()
        return carry

    lax.fori_loop(0, _N_CHUNKS, body, 0)
    for s in range(_NBUF):
        pltpu.make_async_copy(
            buf.at[s], out_hbm.at[pl.ds(0, _CHUNK)], store_sems.at[s]
        ).wait()

    @pl.when(wid == 0)
    def _():
        for i in range(_TAIL_ROWS // _TCHUNK):
            tb = buf.at[0].at[pl.ds(0, _TCHUNK)]
            off = _TAIL_BASE + i * _TCHUNK
            pltpu.sync_copy(in_hbm.at[pl.ds(off, _TCHUNK)], tb)
            pltpu.sync_copy(tb, out_hbm.at[pl.ds(off, _TCHUNK)])


def kernel(embeddings):
    mesh = plsc.VectorSubcoreMesh(core_axis_name="c", subcore_axis_name="s")
    run = pl.kernel(
        _sc_copy,
        out_type=jax.ShapeDtypeStruct(embeddings.shape, embeddings.dtype),
        mesh=mesh,
        scratch_types=[
            pltpu.VMEM((_NBUF, _CHUNK, _DIM), jnp.float32),
            pltpu.SemaphoreType.DMA((_NBUF,)),
            pltpu.SemaphoreType.DMA((_NBUF,)),
        ],
    )
    return run(embeddings)

# --- scband reference (transcript-rebuilt; emitter-appended) ---
"""Pipeline reference for scband-poincare-embedding-18622978195860 (READ-ONLY COPY).

The authoritative reference and input builder live on the scoring server;
editing this copy changes nothing except your own understanding.
"""

import jax, jax.numpy as jnp
import numpy as np

NUM_EMBEDDINGS = 1000000
EMBEDDING_DIM = 32

def setup_inputs(seed: int = 0) -> dict:
    key = jax.random.key(seed)
    # Learned parameter: Poincare embedding table, init matches torch.randn(...) * 0.5
    embeddings = jax.random.normal(key, (NUM_EMBEDDINGS, EMBEDDING_DIM), dtype=jnp.float32) * 0.5
    return {"embeddings": embeddings}

def reference(embeddings):
    # Faithful translation of PoincareEmbedding.forward(): returns the full embedding table.
    return embeddings

if __name__ == "__main__":
    import jax
    _d = setup_inputs()
    print(jax.jit(kernel)(*tuple(_d.values())))

</pallas_src>

<mosaic_0001>
#map = affine_map<(d0, d1) -> (0, 0)>
module attributes {stable_mosaic.version = 14 : i64} {
  func.func @_sc_copy(%arg0: i32, %arg1: i32, %arg2: memref<1000000x32xf32, #tpu.memory_space<hbm>>, %arg3: memref<1000000x32xf32, #tpu.memory_space<hbm>>, %arg4: memref<2x256x32xf32, #tpu.memory_space<vmem>>, %arg5: memref<2x!tpu.dma_semaphore, #tpu.memory_space<semaphore_mem>>, %arg6: memref<2x!tpu.dma_semaphore, #tpu.memory_space<semaphore_mem>>) attributes {dimension_semantics = [#tpu.dimension_semantics<core_parallel>, #tpu.dimension_semantics<subcore_parallel>], iteration_bounds = array<i64: 2, 16>, scalar_prefetch = 0 : i64, scratch_operands = 3 : i64, tpu.core_type = #tpu.core_type<sc_vector_subcore>, window_params = [{transform_indices = #map}, {transform_indices = #map}]} {
    %mul3A = arith.constant 2 : i32
    %mul3A_0 = arith.muli %arg1, %mul3A : i32
    %add3A = arith.addi %mul3A_0, %arg0 : i32
    %mul3A_1 = arith.constant 31232 : i32
    %mul3A_2 = arith.muli %add3A, %mul3A_1 : i32
    %multiple_of3A = tpu.assume_multiple %mul3A_2, 32 : i32
    %scan3A = arith.constant 0 : i32
    %scan3A_3 = arith.constant 0 : i32
    %scan3A_4 = arith.constant 122 : i32
    %scan3A_5 = arith.addi %scan3A_3, %scan3A_4 : i32
    %scan3A_6 = arith.constant 1 : i32
    scf.for %scan3A_45 = %scan3A_3 to %scan3A_5 step %scan3A_6  : i32 {
      %rem3A = arith.constant 2 : i32
      %rem3A_46 = arith.remsi %scan3A_45, %rem3A : i32
      %mul3A_47 = arith.constant 256 : i32
      %mul3A_48 = arith.muli %scan3A_45, %mul3A_47 : i32
      %add3A_49 = arith.addi %multiple_of3A, %mul3A_48 : i32
      %ge3A = arith.constant 2 : i32
      %ge3A_50 = arith.cmpi sge, %scan3A_45, %ge3A : i32
      %convert_element_type3A_51 = arith.extui %ge3A_50 : i1 to i32
      %cond3A_52 = arith.constant 0 : i32
      %cond3A_53 = arith.cmpi ne, %convert_element_type3A_51, %cond3A_52 : i32
      scf.if %cond3A_53 {
        %dma_wait3A_95 = arith.constant 0 : i32
        %dma_wait3A_96 = arith.constant 0 : i32
        %dma_wait3A_97 = tpu.memref_slice %arg4[%rem3A_46, %dma_wait3A_95, %dma_wait3A_96] : memref<2x256x32xf32, #tpu.memory_space<vmem>> -> memref<1x256x32xf32, #tpu.memory_space<vmem>>
        %dma_wait3A_98 = tpu.memref_squeeze %dma_wait3A_97 : memref<1x256x32xf32, #tpu.memory_space<vmem>> -> memref<256x32xf32, #tpu.memory_space<vmem>>
        %dma_wait3A_99 = arith.constant 0 : i32
        %dma_wait3A_100 = arith.constant 0 : i32
        %dma_wait3A_101 = tpu.memref_slice %arg3[%dma_wait3A_99, %dma_wait3A_100] : memref<1000000x32xf32, #tpu.memory_space<hbm>> -> memref<256x32xf32, #tpu.memory_space<hbm>>
        %dma_wait3A_102 = tpu.memref_slice %arg6[%rem3A_46] : memref<2x!tpu.dma_semaphore, #tpu.memory_space<semaphore_mem>> -> memref<1x!tpu.dma_semaphore, #tpu.memory_space<semaphore_mem>>
        %dma_wait3A_103 = tpu.memref_squeeze %dma_wait3A_102 : memref<1x!tpu.dma_semaphore, #tpu.memory_space<semaphore_mem>> -> memref<!tpu.dma_semaphore, #tpu.memory_space<semaphore_mem>>
        %dma_wait3A_104 = arith.constant 0 : i32
        %dma_wait3A_105 = arith.constant 0 : i32
        %dma_wait3A_106 = tpu.memref_slice %arg3[%dma_wait3A_104, %dma_wait3A_105] : memref<1000000x32xf32, #tpu.memory_space<hbm>> -> memref<256x32xf32, #tpu.memory_space<hbm>>
        %dma_wait3A_107 = arith.constant 0 : i32
        %dma_wait3A_108 = arith.constant 0 : i32
        %dma_wait3A_109 = tpu.memref_slice %arg4[%rem3A_46, %dma_wait3A_107, %dma_wait3A_108] : memref<2x256x32xf32, #tpu.memory_space<vmem>> -> memref<1x256x32xf32, #tpu.memory_space<vmem>>
        %dma_wait3A_110 = tpu.memref_squeeze %dma_wait3A_109 : memref<1x256x32xf32, #tpu.memory_space<vmem>> -> memref<256x32xf32, #tpu.memory_space<vmem>>
        tpu.wait_dma2 semaphore(%dma_wait3A_103 : memref<!tpu.dma_semaphore, #tpu.memory_space<semaphore_mem>>) src(%dma_wait3A_110 : memref<256x32xf32, #tpu.memory_space<vmem>>) dst(%dma_wait3A_106 : memref<256x32xf32, #tpu.memory_space<hbm>>)
      } else {
      }
      %dma_start3A = arith.constant 0 : i32
      %dma_start3A_54 = arith.constant 0 : i32
      %dma_start3A_55 = tpu.memref_slice %arg4[%rem3A_46, %dma_start3A, %dma_start3A_54] : memref<2x256x32xf32, #tpu.memory_space<vmem>> -> memref<1x256x32xf32, #tpu.memory_space<vmem>>
      %dma_start3A_56 = tpu.memref_squeeze %dma_start3A_55 : memref<1x256x32xf32, #tpu.memory_space<vmem>> -> memref<256x32xf32, #tpu.memory_space<vmem>>
      %dma_start3A_57 = arith.constant 0 : i32
      %dma_start3A_58 = tpu.memref_slice %arg2[%add3A_49, %dma_start3A_57] : memref<1000000x32xf32, #tpu.memory_space<hbm>> -> memref<256x32xf32, #tpu.memory_space<hbm>>
      %dma_start3A_59 = tpu.memref_slice %arg5[%rem3A_46] : memref<2x!tpu.dma_semaphore, #tpu.memory_space<semaphore_mem>> -> memref<1x!tpu.dma_semaphore, #tpu.memory_space<semaphore_mem>>
      %dma_start3A_60 = tpu.memref_squeeze %dma_start3A_59 : memref<1x!tpu.dma_semaphore, #tpu.memory_space<semaphore_mem>> -> memref<!tpu.dma_semaphore, #tpu.memory_space<semaphore_mem>>
      %dma_start3A_61 = arith.constant 0 : i32
      %dma_start3A_62 = arith.constant 0 : i32
      %dma_start3A_63 = tpu.memref_slice %arg4[%rem3A_46, %dma_start3A_61, %dma_start3A_62] : memref<2x256x32xf32, #tpu.memory_space<vmem>> -> memref<1x256x32xf32, #tpu.memory_space<vmem>>
      %dma_start3A_64 = tpu.memref_squeeze %dma_start3A_63 : memref<1x256x32xf32, #tpu.memory_space<vmem>> -> memref<256x32xf32, #tpu.memory_space<vmem>>
      %dma_start3A_65 = arith.constant 0 : i32
      %dma_start3A_66 = tpu.memref_slice %arg2[%add3A_49, %dma_start3A_65] : memref<1000000x32xf32, #tpu.memory_space<hbm>> -> memref<256x32xf32, #tpu.memory_space<hbm>>
      tpu.enqueue_dma source(%dma_start3A_66 : memref<256x32xf32, #tpu.memory_space<hbm>>) target(%dma_start3A_64 : memref<256x32xf32, #tpu.memory_space<vmem>>) target_semaphore(%dma_start3A_60 : memref<!tpu.dma_semaphore, #tpu.memory_space<semaphore_mem>>)
      %dma_wait3A_67 = arith.constant 0 : i32
      %dma_wait3A_68 = arith.constant 0 : i32
      %dma_wait3A_69 = tpu.memref_slice %arg4[%rem3A_46, %dma_wait3A_67, %dma_wait3A_68] : memref<2x256x32xf32, #tpu.memory_space<vmem>> -> memref<1x256x32xf32, #tpu.memory_space<vmem>>
      %dma_wait3A_70 = tpu.memref_squeeze %dma_wait3A_69 : memref<1x256x32xf32, #tpu.memory_space<vmem>> -> memref<256x32xf32, #tpu.memory_space<vmem>>
      %dma_wait3A_71 = arith.constant 0 : i32
      %dma_wait3A_72 = tpu.memref_slice %arg2[%add3A_49, %dma_wait3A_71] : memref<1000000x32xf32, #tpu.memory_space<hbm>> -> memref<256x32xf32, #tpu.memory_space<hbm>>
      %dma_wait3A_73 = tpu.memref_slice %arg5[%rem3A_46] : memref<2x!tpu.dma_semaphore, #tpu.memory_space<semaphore_mem>> -> memref<1x!tpu.dma_semaphore, #tpu.memory_space<semaphore_mem>>
      %dma_wait3A_74 = tpu.memref_squeeze %dma_wait3A_73 : memref<1x!tpu.dma_semaphore, #tpu.memory_space<semaphore_mem>> -> memref<!tpu.dma_semaphore, #tpu.memory_space<semaphore_mem>>
      %dma_wait3A_75 = arith.constant 0 : i32
      %dma_wait3A_76 = arith.constant 0 : i32
      %dma_wait3A_77 = tpu.memref_slice %arg4[%rem3A_46, %dma_wait3A_75, %dma_wait3A_76] : memref<2x256x32xf32, #tpu.memory_space<vmem>> -> memref<1x256x32xf32, #tpu.memory_space<vmem>>
      %dma_wait3A_78 = tpu.memref_squeeze %dma_wait3A_77 : memref<1x256x32xf32, #tpu.memory_space<vmem>> -> memref<256x32xf32, #tpu.memory_space<vmem>>
      %dma_wait3A_79 = arith.constant 0 : i32
      %dma_wait3A_80 = tpu.memref_slice %arg2[%add3A_49, %dma_wait3A_79] : memref<1000000x32xf32, #tpu.memory_space<hbm>> -> memref<256x32xf32, #tpu.memory_space<hbm>>
      tpu.wait_dma2 semaphore(%dma_wait3A_74 : memref<!tpu.dma_semaphore, #tpu.memory_space<semaphore_mem>>) src(%dma_wait3A_80 : memref<256x32xf32, #tpu.memory_space<hbm>>) dst(%dma_wait3A_78 : memref<256x32xf32, #tpu.memory_space<vmem>>)
      %dma_start3A_81 = arith.constant 0 : i32
      %dma_start3A_82 = arith.constant 0 : i32
      %dma_start3A_83 = tpu.memref_slice %arg4[%rem3A_46, %dma_start3A_81, %dma_start3A_82] : memref<2x256x32xf32, #tpu.memory_space<vmem>> -> memref<1x256x32xf32, #tpu.memory_space<vmem>>
      %dma_start3A_84 = tpu.memref_squeeze %dma_start3A_83 : memref<1x256x32xf32, #tpu.memory_space<vmem>> -> memref<256x32xf32, #tpu.memory_space<vmem>>
      %dma_start3A_85 = arith.constant 0 : i32
      %dma_start3A_86 = tpu.memref_slice %arg3[%add3A_49, %dma_start3A_85] : memref<1000000x32xf32, #tpu.memory_space<hbm>> -> memref<256x32xf32, #tpu.memory_space<hbm>>
      %dma_start3A_87 = tpu.memref_slice %arg6[%rem3A_46] : memref<2x!tpu.dma_semaphore, #tpu.memory_space<semaphore_mem>> -> memref<1x!tpu.dma_semaphore, #tpu.memory_space<semaphore_mem>>
      %dma_start3A_88 = tpu.memref_squeeze %dma_start3A_87 : memref<1x!tpu.dma_semaphore, #tpu.memory_space<semaphore_mem>> -> memref<!tpu.dma_semaphore, #tpu.memory_space<semaphore_mem>>
      %dma_start3A_89 = arith.constant 0 : i32
      %dma_start3A_90 = tpu.memref_slice %arg3[%add3A_49, %dma_start3A_89] : memref<1000000x32xf32, #tpu.memory_space<hbm>> -> memref<256x32xf32, #tpu.memory_space<hbm>>
      %dma_start3A_91 = arith.constant 0 : i32
      %dma_start3A_92 = arith.constant 0 : i32
      %dma_start3A_93 = tpu.memref_slice %arg4[%rem3A_46, %dma_start3A_91, %dma_start3A_92] : memref<2x256x32xf32, #tpu.memory_space<vmem>> -> memref<1x256x32xf32, #tpu.memory_space<vmem>>
      %dma_start3A_94 = tpu.memref_squeeze %dma_start3A_93 : memref<1x256x32xf32, #tpu.memory_space<vmem>> -> memref<256x32xf32, #tpu.memory_space<vmem>>
      tpu.enqueue_dma source(%dma_start3A_94 : memref<256x32xf32, #tpu.memory_space<vmem>>) target(%dma_start3A_90 : memref<256x32xf32, #tpu.memory_space<hbm>>) target_semaphore(%dma_start3A_88 : memref<!tpu.dma_semaphore, #tpu.memory_space<semaphore_mem>>)
    }
    %scan3A_7 = arith.constant 122 : i32
    %dma_wait3A = arith.constant 0 : i32
    %dma_wait3A_8 = arith.constant 0 : i32
    %dma_wait3A_9 = arith.constant 0 : i32
    %dma_wait3A_10 = arith.constant 0 : i32
    %dma_wait3A_11 = tpu.memref_slice %arg4[%dma_wait3A, %dma_wait3A_9, %dma_wait3A_10] : memref<2x256x32xf32, #tpu.memory_space<vmem>> -> memref<1x256x32xf32, #tpu.memory_space<vmem>>
    %dma_wait3A_12 = tpu.memref_squeeze %dma_wait3A_11 : memref<1x256x32xf32, #tpu.memory_space<vmem>> -> memref<256x32xf32, #tpu.memory_space<vmem>>
    %dma_wait3A_13 = arith.constant 0 : i32
    %dma_wait3A_14 = arith.constant 0 : i32
    %dma_wait3A_15 = tpu.memref_slice %arg3[%dma_wait3A_13, %dma_wait3A_14] : memref<1000000x32xf32, #tpu.memory_space<hbm>> -> memref<256x32xf32, #tpu.memory_space<hbm>>
    %dma_wait3A_16 = tpu.memref_slice %arg6[%dma_wait3A_8] : memref<2x!tpu.dma_semaphore, #tpu.memory_space<semaphore_mem>> -> memref<1x!tpu.dma_semaphore, #tpu.memory_space<semaphore_mem>>
    %dma_wait3A_17 = tpu.memref_squeeze %dma_wait3A_16 : memref<1x!tpu.dma_semaphore, #tpu.memory_space<semaphore_mem>> -> memref<!tpu.dma_semaphore, #tpu.memory_space<semaphore_mem>>
    %dma_wait3A_18 = arith.constant 0 : i32
    %dma_wait3A_19 = arith.constant 0 : i32
    %dma_wait3A_20 = tpu.memref_slice %arg3[%dma_wait3A_18, %dma_wait3A_19] : memref<1000000x32xf32, #tpu.memory_space<hbm>> -> memref<256x32xf32, #tpu.memory_space<hbm>>
    %dma_wait3A_21 = arith.constant 0 : i32
    %dma_wait3A_22 = arith.constant 0 : i32
    %dma_wait3A_23 = tpu.memref_slice %arg4[%dma_wait3A, %dma_wait3A_21, %dma_wait3A_22] : memref<2x256x32xf32, #tpu.memory_space<vmem>> -> memref<1x256x32xf32, #tpu.memory_space<vmem>>
    %dma_wait3A_24 = tpu.memref_squeeze %dma_wait3A_23 : memref<1x256x32xf32, #tpu.memory_space<vmem>> -> memref<256x32xf32, #tpu.memory_space<vmem>>
    tpu.wait_dma2 semaphore(%dma_wait3A_17 : memref<!tpu.dma_semaphore, #tpu.memory_space<semaphore_mem>>) src(%dma_wait3A_24 : memref<256x32xf32, #tpu.memory_space<vmem>>) dst(%dma_wait3A_20 : memref<256x32xf32, #tpu.memory_space<hbm>>)
    %dma_wait3A_25 = arith.constant 1 : i32
    %dma_wait3A_26 = arith.constant 1 : i32
    %dma_wait3A_27 = arith.constant 0 : i32
    %dma_wait3A_28 = arith.constant 0 : i32
    %dma_wait3A_29 = tpu.memref_slice %arg4[%dma_wait3A_25, %dma_wait3A_27, %dma_wait3A_28] : memref<2x256x32xf32, #tpu.memory_space<vmem>> -> memref<1x256x32xf32, #tpu.memory_space<vmem>>
    %dma_wait3A_30 = tpu.memref_squeeze %dma_wait3A_29 : memref<1x256x32xf32, #tpu.memory_space<vmem>> -> memref<256x32xf32, #tpu.memory_space<vmem>>
    %dma_wait3A_31 = arith.constant 0 : i32
    %dma_wait3A_32 = arith.constant 0 : i32
    %dma_wait3A_33 = tpu.memref_slice %arg3[%dma_wait3A_31, %dma_wait3A_32] : memref<1000000x32xf32, #tpu.memory_space<hbm>> -> memref<256x32xf32, #tpu.memory_space<hbm>>
    %dma_wait3A_34 = tpu.memref_slice %arg6[%dma_wait3A_26] : memref<2x!tpu.dma_semaphore, #tpu.memory_space<semaphore_mem>> -> memref<1x!tpu.dma_semaphore, #tpu.memory_space<semaphore_mem>>
    %dma_wait3A_35 = tpu.memref_squeeze %dma_wait3A_34 : memref<1x!tpu.dma_semaphore, #tpu.memory_space<semaphore_mem>> -> memref<!tpu.dma_semaphore, #tpu.memory_space<semaphore_mem>>
    %dma_wait3A_36 = arith.constant 0 : i32
    %dma_wait3A_37 = arith.constant 0 : i32
    %dma_wait3A_38 = tpu.memref_slice %arg3[%dma_wait3A_36, %dma_wait3A_37] : memref<1000000x32xf32, #tpu.memory_space<hbm>> -> memref<256x32xf32, #tpu.memory_space<hbm>>
    %dma_wait3A_39 = arith.constant 0 : i32
    %dma_wait3A_40 = arith.constant 0 : i32
    %dma_wait3A_41 = tpu.memref_slice %arg4[%dma_wait3A_25, %dma_wait3A_39, %dma_wait3A_40] : memref<2x256x32xf32, #tpu.memory_space<vmem>> -> memref<1x256x32xf32, #tpu.memory_space<vmem>>
    %dma_wait3A_42 = tpu.memref_squeeze %dma_wait3A_41 : memref<1x256x32xf32, #tpu.memory_space<vmem>> -> memref<256x32xf32, #tpu.memory_space<vmem>>
    tpu.wait_dma2 semaphore(%dma_wait3A_35 : memref<!tpu.dma_semaphore, #tpu.memory_space<semaphore_mem>>) src(%dma_wait3A_42 : memref<256x32xf32, #tpu.memory_space<vmem>>) dst(%dma_wait3A_38 : memref<256x32xf32, #tpu.memory_space<hbm>>)
    %eq3A = arith.constant 0 : i32
    %eq3A_43 = arith.cmpi eq, %add3A, %eq3A : i32
    %convert_element_type3A = arith.extui %eq3A_43 : i1 to i32
    %cond3A = arith.constant 0 : i32
    %cond3A_44 = arith.cmpi ne, %convert_element_type3A, %cond3A : i32
    scf.if %cond3A_44 {
      %run_scoped3A = arith.constant 0 : i32
      "tpu.region"() ({
        %run_scoped3A_50 = tpu.sem_alloc : memref<!tpu.dma_semaphore, #tpu.memory_space<semaphore_mem>>
        %dma_start3A = arith.constant 0 : i32
        %dma_start3A_51 = arith.constant 0 : i32
        %dma_start3A_52 = tpu.memref_slice %arg4[%run_scoped3A, %dma_start3A, %dma_start3A_51] : memref<2x256x32xf32, #tpu.memory_space<vmem>> -> memref<1x256x32xf32, #tpu.memory_space<vmem>>
        %dma_start3A_53 = tpu.memref_squeeze %dma_start3A_52 : memref<1x256x32xf32, #tpu.memory_space<vmem>> -> memref<256x32xf32, #tpu.memory_space<vmem>>
        %dma_start3A_54 = arith.constant 0 : i32
        %dma_start3A_55 = arith.constant 0 : i32
        %dma_start3A_56 = tpu.memref_slice %dma_start3A_53[%dma_start3A_54, %dma_start3A_55] : memref<256x32xf32, #tpu.memory_space<vmem>> -> memref<192x32xf32, #tpu.memory_space<vmem>>
        %dma_start3A_57 = arith.constant 999424 : i32
        %dma_start3A_58 = arith.constant 0 : i32
        %dma_start3A_59 = tpu.memref_slice %arg2[%dma_start3A_57, %dma_start3A_58] : memref<1000000x32xf32, #tpu.memory_space<hbm>> -> memref<192x32xf32, #tpu.memory_space<hbm>>
        %dma_start3A_60 = arith.constant 0 : i32
        %dma_start3A_61 = arith.constant 0 : i32
        %dma_start3A_62 = tpu.memref_slice %arg4[%run_scoped3A, %dma_start3A_60, %dma_start3A_61] : memref<2x256x32xf32, #tpu.memory_space<vmem>> -> memref<1x256x32xf32, #tpu.memory_space<vmem>>
        %dma_start3A_63 = tpu.memref_squeeze %dma_start3A_62 : memref<1x256x32xf32, #tpu.memory_space<vmem>> -> memref<256x32xf32, #tpu.memory_space<vmem>>
        %dma_start3A_64 = arith.constant 0 : i32
        %dma_start3A_65 = arith.constant 0 : i32
        %dma_start3A_66 = tpu.memref_slice %dma_start3A_63[%dma_start3A_64, %dma_start3A_65] : memref<256x32xf32, #tpu.memory_space<vmem>> -> memref<192x32xf32, #tpu.memory_space<vmem>>
        %dma_start3A_67 = arith.constant 999424 : i32
        %dma_start3A_68 = arith.constant 0 : i32
        %dma_start3A_69 = tpu.memref_slice %arg2[%dma_start3A_67, %dma_start3A_68] : memref<1000000x32xf32, #tpu.memory_space<hbm>> -> memref<192x32xf32, #tpu.memory_space<hbm>>
        tpu.enqueue_dma source(%dma_start3A_69 : memref<192x32xf32, #tpu.memory_space<hbm>>) target(%dma_start3A_66 : memref<192x32xf32, #tpu.memory_space<vmem>>) target_semaphore(%run_scoped3A_50 : memref<!tpu.dma_semaphore, #tpu.memory_space<semaphore_mem>>)
        %dma_wait3A_70 = arith.constant 0 : i32
        %dma_wait3A_71 = arith.constant 0 : i32
        %dma_wait3A_72 = tpu.memref_slice %arg4[%run_scoped3A, %dma_wait3A_70, %dma_wait3A_71] : memref<2x256x32xf32, #tpu.memory_space<vmem>> -> memref<1x256x32xf32, #tpu.memory_space<vmem>>
        %dma_wait3A_73 = tpu.memref_squeeze %dma_wait3A_72 : memref<1x256x32xf32, #tpu.memory_space<vmem>> -> memref<256x32xf32, #tpu.memory_space<vmem>>
        %dma_wait3A_74 = arith.constant 0 : i32
        %dma_wait3A_75 = arith.constant 0 : i32
        %dma_wait3A_76 = tpu.memref_slice %dma_wait3A_73[%dma_wait3A_74, %dma_wait3A_75] : memref<256x32xf32, #tpu.memory_space<vmem>> -> memref<192x32xf32, #tpu.memory_space<vmem>>
        %dma_wait3A_77 = arith.constant 999424 : i32
        %dma_wait3A_78 = arith.constant 0 : i32
        %dma_wait3A_79 = tpu.memref_slice %arg2[%dma_wait3A_77, %dma_wait3A_78] : memref<1000000x32xf32, #tpu.memory_space<hbm>> -> memref<192x32xf32, #tpu.memory_space<hbm>>
        %dma_wait3A_80 = arith.constant 0 : i32
        %dma_wait3A_81 = arith.constant 0 : i32
        %dma_wait3A_82 = tpu.memref_slice %arg4[%run_scoped3A, %dma_wait3A_80, %dma_wait3A_81] : memref<2x256x32xf32, #tpu.memory_space<vmem>> -> memref<1x256x32xf32, #tpu.memory_space<vmem>>
        %dma_wait3A_83 = tpu.memref_squeeze %dma_wait3A_82 : memref<1x256x32xf32, #tpu.memory_space<vmem>> -> memref<256x32xf32, #tpu.memory_space<vmem>>
        %dma_wait3A_84 = arith.constant 0 : i32
        %dma_wait3A_85 = arith.constant 0 : i32
        %dma_wait3A_86 = tpu.memref_slice %dma_wait3A_83[%dma_wait3A_84, %dma_wait3A_85] : memref<256x32xf32, #tpu.memory_space<vmem>> -> memref<192x32xf32, #tpu.memory_space<vmem>>
        %dma_wait3A_87 = arith.constant 999424 : i32
        %dma_wait3A_88 = arith.constant 0 : i32
        %dma_wait3A_89 = tpu.memref_slice %arg2[%dma_wait3A_87, %dma_wait3A_88] : memref<1000000x32xf32, #tpu.memory_space<hbm>> -> memref<192x32xf32, #tpu.memory_space<hbm>>
        tpu.wait_dma2 semaphore(%run_scoped3A_50 : memref<!tpu.dma_semaphore, #tpu.memory_space<semaphore_mem>>) src(%dma_wait3A_89 : memref<192x32xf32, #tpu.memory_space<hbm>>) dst(%dma_wait3A_86 : memref<192x32xf32, #tpu.memory_space<vmem>>)
        tpu.yield
      }) : () -> ()
      %run_scoped3A_45 = arith.constant 0 : i32
      "tpu.region"() ({
        %run_scoped3A_50 = tpu.sem_alloc : memref<!tpu.dma_semaphore, #tpu.memory_space<semaphore_mem>>
        %dma_start3A = arith.constant 0 : i32
        %dma_start3A_51 = arith.constant 0 : i32
        %dma_start3A_52 = tpu.memref_slice %arg4[%run_scoped3A_45, %dma_start3A, %dma_start3A_51] : memref<2x256x32xf32, #tpu.memory_space<vmem>> -> memref<1x256x32xf32, #tpu.memory_space<vmem>>
        %dma_start3A_53 = tpu.memref_squeeze %dma_start3A_52 : memref<1x256x32xf32, #tpu.memory_space<vmem>> -> memref<256x32xf32, #tpu.memory_space<vmem>>
        %dma_start3A_54 = arith.constant 0 : i32
        %dma_start3A_55 = arith.constant 0 : i32
        %dma_start3A_56 = tpu.memref_slice %dma_start3A_53[%dma_start3A_54, %dma_start3A_55] : memref<256x32xf32, #tpu.memory_space<vmem>> -> memref<192x32xf32, #tpu.memory_space<vmem>>
        %dma_start3A_57 = arith.constant 999424 : i32
        %dma_start3A_58 = arith.constant 0 : i32
        %dma_start3A_59 = tpu.memref_slice %arg3[%dma_start3A_57, %dma_start3A_58] : memref<1000000x32xf32, #tpu.memory_space<hbm>> -> memref<192x32xf32, #tpu.memory_space<hbm>>
        %dma_start3A_60 = arith.constant 999424 : i32
        %dma_start3A_61 = arith.constant 0 : i32
        %dma_start3A_62 = tpu.memref_slice %arg3[%dma_start3A_60, %dma_start3A_61] : memref<1000000x32xf32, #tpu.memory_space<hbm>> -> memref<192x32xf32, #tpu.memory_space<hbm>>
        %dma_start3A_63 = arith.constant 0 : i32
        %dma_start3A_64 = arith.constant 0 : i32
        %dma_start3A_65 = tpu.memref_slice %arg4[%run_scoped3A_45, %dma_start3A_63, %dma_start3A_64] : memref<2x256x32xf32, #tpu.memory_space<vmem>> -> memref<1x256x32xf32, #tpu.memory_space<vmem>>
        %dma_start3A_66 = tpu.memref_squeeze %dma_start3A_65 : memref<1x256x32xf32, #tpu.memory_space<vmem>> -> memref<256x32xf32, #tpu.memory_space<vmem>>
        %dma_start3A_67 = arith.constant 0 : i32
        %dma_start3A_68 = arith.constant 0 : i32
        %dma_start3A_69 = tpu.memref_slice %dma_start3A_66[%dma_start3A_67, %dma_start3A_68] : memref<256x32xf32, #tpu.memory_space<vmem>> -> memref<192x32xf32, #tpu.memory_space<vmem>>
        tpu.enqueue_dma source(%dma_start3A_69 : memref<192x32xf32, #tpu.memory_space<vmem>>) target(%dma_start3A_62 : memref<192x32xf32, #tpu.memory_space<hbm>>) target_semaphore(%run_scoped3A_50 : memref<!tpu.dma_semaphore, #tpu.memory_space<semaphore_mem>>)
        %dma_wait3A_70 = arith.constant 0 : i32
        %dma_wait3A_71 = arith.constant 0 : i32
        %dma_wait3A_72 = tpu.memref_slice %arg4[%run_scoped3A_45, %dma_wait3A_70, %dma_wait3A_71] : memref<2x256x32xf32, #tpu.memory_space<vmem>> -> memref<1x256x32xf32, #tpu.memory_space<vmem>>
        %dma_wait3A_73 = tpu.memref_squeeze %dma_wait3A_72 : memref<1x256x32xf32, #tpu.memory_space<vmem>> -> memref<256x32xf32, #tpu.memory_space<vmem>>
        %dma_wait3A_74 = arith.constant 0 : i32
        %dma_wait3A_75 = arith.constant 0 : i32
        %dma_wait3A_76 = tpu.memref_slice %dma_wait3A_73[%dma_wait3A_74, %dma_wait3A_75] : memref<256x32xf32, #tpu.memory_space<vmem>> -> memref<192x32xf32, #tpu.memory_space<vmem>>
        %dma_wait3A_77 = arith.constant 999424 : i32
        %dma_wait3A_78 = arith.constant 0 : i32
        %dma_wait3A_79 = tpu.memref_slice %arg3[%dma_wait3A_77, %dma_wait3A_78] : memref<1000000x32xf32, #tpu.memory_space<hbm>> -> memref<192x32xf32, #tpu.memory_space<hbm>>
        %dma_wait3A_80 = arith.constant 999424 : i32
        %dma_wait3A_81 = arith.constant 0 : i32
        %dma_wait3A_82 = tpu.memref_slice %arg3[%dma_wait3A_80, %dma_wait3A_81] : memref<1000000x32xf32, #tpu.memory_space<hbm>> -> memref<192x32xf32, #tpu.memory_space<hbm>>
        %dma_wait3A_83 = arith.constant 0 : i32
        %dma_wait3A_84 = arith.constant 0 : i32
        %dma_wait3A_85 = tpu.memref_slice %arg4[%run_scoped3A_45, %dma_wait3A_83, %dma_wait3A_84] : memref<2x256x32xf32, #tpu.memory_space<vmem>> -> memref<1x256x32xf32, #tpu.memory_space<vmem>>
        %dma_wait3A_86 = tpu.memref_squeeze %dma_wait3A_85 : memref<1x256x32xf32, #tpu.memory_space<vmem>> -> memref<256x32xf32, #tpu.memory_space<vmem>>
        %dma_wait3A_87 = arith.constant 0 : i32
        %dma_wait3A_88 = arith.constant 0 : i32
        %dma_wait3A_89 = tpu.memref_slice %dma_wait3A_86[%dma_wait3A_87, %dma_wait3A_88] : memref<256x32xf32, #tpu.memory_space<vmem>> -> memref<192x32xf32, #tpu.memory_space<vmem>>
        tpu.wait_dma2 semaphore(%run_scoped3A_50 : memref<!tpu.dma_semaphore, #tpu.memory_space<semaphore_mem>>) src(%dma_wait3A_89 : memref<192x32xf32, #tpu.memory_space<vmem>>) dst(%dma_wait3A_82 : memref<192x32xf32, #tpu.memory_space<hbm>>)
        tpu.yield
      }) : () -> ()
      %run_scoped3A_46 = arith.constant 0 : i32
      "tpu.region"() ({
        %run_scoped3A_50 = tpu.sem_alloc : memref<!tpu.dma_semaphore, #tpu.memory_space<semaphore_mem>>
        %dma_start3A = arith.constant 0 : i32
        %dma_start3A_51 = arith.constant 0 : i32
        %dma_start3A_52 = tpu.memref_slice %arg4[%run_scoped3A_46, %dma_start3A, %dma_start3A_51] : memref<2x256x32xf32, #tpu.memory_space<vmem>> -> memref<1x256x32xf32, #tpu.memory_space<vmem>>
        %dma_start3A_53 = tpu.memref_squeeze %dma_start3A_52 : memref<1x256x32xf32, #tpu.memory_space<vmem>> -> memref<256x32xf32, #tpu.memory_space<vmem>>
        %dma_start3A_54 = arith.constant 0 : i32
        %dma_start3A_55 = arith.constant 0 : i32
        %dma_start3A_56 = tpu.memref_slice %dma_start3A_53[%dma_start3A_54, %dma_start3A_55] : memref<256x32xf32, #tpu.memory_space<vmem>> -> memref<192x32xf32, #tpu.memory_space<vmem>>
        %dma_start3A_57 = arith.constant 999616 : i32
        %dma_start3A_58 = arith.constant 0 : i32
        %dma_start3A_59 = tpu.memref_slice %arg2[%dma_start3A_57, %dma_start3A_58] : memref<1000000x32xf32, #tpu.memory_space<hbm>> -> memref<192x32xf32, #tpu.memory_space<hbm>>
        %dma_start3A_60 = arith.constant 0 : i32
        %dma_start3A_61 = arith.constant 0 : i32
        %dma_start3A_62 = tpu.memref_slice %arg4[%run_scoped3A_46, %dma_start3A_60, %dma_start3A_61] : memref<2x256x32xf32, #tpu.memory_space<vmem>> -> memref<1x256x32xf32, #tpu.memory_space<vmem>>
        %dma_start3A_63 = tpu.memref_squeeze %dma_start3A_62 : memref<1x256x32xf32, #tpu.memory_space<vmem>> -> memref<256x32xf32, #tpu.memory_space<vmem>>
        %dma_start3A_64 = arith.constant 0 : i32
        %dma_start3A_65 = arith.constant 0 : i32
        %dma_start3A_66 = tpu.memref_slice %dma_start3A_63[%dma_start3A_64, %dma_start3A_65] : memref<256x32xf32, #tpu.memory_space<vmem>> -> memref<192x32xf32, #tpu.memory_space<vmem>>
        %dma_start3A_67 = arith.constant 999616 : i32
        %dma_start3A_68 = arith.constant 0 : i32
        %dma_start3A_69 = tpu.memref_slice %arg2[%dma_start3A_67, %dma_start3A_68] : memref<1000000x32xf32, #tpu.memory_space<hbm>> -> memref<192x32xf32, #tpu.memory_space<hbm>>
        tpu.enqueue_dma source(%dma_start3A_69 : memref<192x32xf32, #tpu.memory_space<hbm>>) target(%dma_start3A_66 : memref<192x32xf32, #tpu.memory_space<vmem>>) target_semaphore(%run_scoped3A_50 : memref<!tpu.dma_semaphore, #tpu.memory_space<semaphore_mem>>)
        %dma_wait3A_70 = arith.constant 0 : i32
        %dma_wait3A_71 = arith.constant 0 : i32
        %dma_wait3A_72 = tpu.memref_slice %arg4[%run_scoped3A_46, %dma_wait3A_70, %dma_wait3A_71] : memref<2x256x32xf32, #tpu.memory_space<vmem>> -> memref<1x256x32xf32, #tpu.memory_space<vmem>>
        %dma_wait3A_73 = tpu.memref_squeeze %dma_wait3A_72 : memref<1x256x32xf32, #tpu.memory_space<vmem>> -> memref<256x32xf32, #tpu.memory_space<vmem>>
        %dma_wait3A_74 = arith.constant 0 : i32
        %dma_wait3A_75 = arith.constant 0 : i32
        %dma_wait3A_76 = tpu.memref_slice %dma_wait3A_73[%dma_wait3A_74, %dma_wait3A_75] : memref<256x32xf32, #tpu.memory_space<vmem>> -> memref<192x32xf32, #tpu.memory_space<vmem>>
        %dma_wait3A_77 = arith.constant 999616 : i32
        %dma_wait3A_78 = arith.constant 0 : i32
        %dma_wait3A_79 = tpu.memref_slice %arg2[%dma_wait3A_77, %dma_wait3A_78] : memref<1000000x32xf32, #tpu.memory_space<hbm>> -> memref<192x32xf32, #tpu.memory_space<hbm>>
        %dma_wait3A_80 = arith.constant 0 : i32
        %dma_wait3A_81 = arith.constant 0 : i32
        %dma_wait3A_82 = tpu.memref_slice %arg4[%run_scoped3A_46, %dma_wait3A_80, %dma_wait3A_81] : memref<2x256x32xf32, #tpu.memory_space<vmem>> -> memref<1x256x32xf32, #tpu.memory_space<vmem>>
        %dma_wait3A_83 = tpu.memref_squeeze %dma_wait3A_82 : memref<1x256x32xf32, #tpu.memory_space<vmem>> -> memref<256x32xf32, #tpu.memory_space<vmem>>
        %dma_wait3A_84 = arith.constant 0 : i32
        %dma_wait3A_85 = arith.constant 0 : i32
        %dma_wait3A_86 = tpu.memref_slice %dma_wait3A_83[%dma_wait3A_84, %dma_wait3A_85] : memref<256x32xf32, #tpu.memory_space<vmem>> -> memref<192x32xf32, #tpu.memory_space<vmem>>
        %dma_wait3A_87 = arith.constant 999616 : i32
        %dma_wait3A_88 = arith.constant 0 : i32
        %dma_wait3A_89 = tpu.memref_slice %arg2[%dma_wait3A_87, %dma_wait3A_88] : memref<1000000x32xf32, #tpu.memory_space<hbm>> -> memref<192x32xf32, #tpu.memory_space<hbm>>
        tpu.wait_dma2 semaphore(%run_scoped3A_50 : memref<!tpu.dma_semaphore, #tpu.memory_space<semaphore_mem>>) src(%dma_wait3A_89 : memref<192x32xf32, #tpu.memory_space<hbm>>) dst(%dma_wait3A_86 : memref<192x32xf32, #tpu.memory_space<vmem>>)
        tpu.yield
      }) : () -> ()
      %run_scoped3A_47 = arith.constant 0 : i32
      "tpu.region"() ({
        %run_scoped3A_50 = tpu.sem_alloc : memref<!tpu.dma_semaphore, #tpu.memory_space<semaphore_mem>>
        %dma_start3A = arith.constant 0 : i32
        %dma_start3A_51 = arith.constant 0 : i32
        %dma_start3A_52 = tpu.memref_slice %arg4[%run_scoped3A_47, %dma_start3A, %dma_start3A_51] : memref<2x256x32xf32, #tpu.memory_space<vmem>> -> memref<1x256x32xf32, #tpu.memory_space<vmem>>
        %dma_start3A_53 = tpu.memref_squeeze %dma_start3A_52 : memref<1x256x32xf32, #tpu.memory_space<vmem>> -> memref<256x32xf32, #tpu.memory_space<vmem>>
        %dma_start3A_54 = arith.constant 0 : i32
        %dma_start3A_55 = arith.constant 0 : i32
        %dma_start3A_56 = tpu.memref_slice %dma_start3A_53[%dma_start3A_54, %dma_start3A_55] : memref<256x32xf32, #tpu.memory_space<vmem>> -> memref<192x32xf32, #tpu.memory_space<vmem>>
        %dma_start3A_57 = arith.constant 999616 : i32
        %dma_start3A_58 = arith.constant 0 : i32
        %dma_start3A_59 = tpu.memref_slice %arg3[%dma_start3A_57, %dma_start3A_58] : memref<1000000x32xf32, #tpu.memory_space<hbm>> -> memref<192x32xf32, #tpu.memory_space<hbm>>
        %dma_start3A_60 = arith.constant 999616 : i32
        %dma_start3A_61 = arith.constant 0 : i32
        %dma_start3A_62 = tpu.memref_slice %arg3[%dma_start3A_60, %dma_start3A_61] : memref<1000000x32xf32, #tpu.memory_space<hbm>> -> memref<192x32xf32, #tpu.memory_space<hbm>>
        %dma_start3A_63 = arith.constant 0 : i32
        %dma_start3A_64 = arith.constant 0 : i32
        %dma_start3A_65 = tpu.memref_slice %arg4[%run_scoped3A_47, %dma_start3A_63, %dma_start3A_64] : memref<2x256x32xf32, #tpu.memory_space<vmem>> -> memref<1x256x32xf32, #tpu.memory_space<vmem>>
        %dma_start3A_66 = tpu.memref_squeeze %dma_start3A_65 : memref<1x256x32xf32, #tpu.memory_space<vmem>> -> memref<256x32xf32, #tpu.memory_space<vmem>>
        %dma_start3A_67 = arith.constant 0 : i32
        %dma_start3A_68 = arith.constant 0 : i32
        %dma_start3A_69 = tpu.memref_slice %dma_start3A_66[%dma_start3A_67, %dma_start3A_68] : memref<256x32xf32, #tpu.memory_space<vmem>> -> memref<192x32xf32, #tpu.memory_space<vmem>>
        tpu.enqueue_dma source(%dma_start3A_69 : memref<192x32xf32, #tpu.memory_space<vmem>>) target(%dma_start3A_62 : memref<192x32xf32, #tpu.memory_space<hbm>>) target_semaphore(%run_scoped3A_50 : memref<!tpu.dma_semaphore, #tpu.memory_space<semaphore_mem>>)
        %dma_wait3A_70 = arith.constant 0 : i32
        %dma_wait3A_71 = arith.constant 0 : i32
        %dma_wait3A_72 = tpu.memref_slice %arg4[%run_scoped3A_47, %dma_wait3A_70, %dma_wait3A_71] : memref<2x256x32xf32, #tpu.memory_space<vmem>> -> memref<1x256x32xf32, #tpu.memory_space<vmem>>
        %dma_wait3A_73 = tpu.memref_squeeze %dma_wait3A_72 : memref<1x256x32xf32, #tpu.memory_space<vmem>> -> memref<256x32xf32, #tpu.memory_space<vmem>>
        %dma_wait3A_74 = arith.constant 0 : i32
        %dma_wait3A_75 = arith.constant 0 : i32
        %dma_wait3A_76 = tpu.memref_slice %dma_wait3A_73[%dma_wait3A_74, %dma_wait3A_75] : memref<256x32xf32, #tpu.memory_space<vmem>> -> memref<192x32xf32, #tpu.memory_space<vmem>>
        %dma_wait3A_77 = arith.constant 999616 : i32
        %dma_wait3A_78 = arith.constant 0 : i32
        %dma_wait3A_79 = tpu.memref_slice %arg3[%dma_wait3A_77, %dma_wait3A_78] : memref<1000000x32xf32, #tpu.memory_space<hbm>> -> memref<192x32xf32, #tpu.memory_space<hbm>>
        %dma_wait3A_80 = arith.constant 999616 : i32
        %dma_wait3A_81 = arith.constant 0 : i32
        %dma_wait3A_82 = tpu.memref_slice %arg3[%dma_wait3A_80, %dma_wait3A_81] : memref<1000000x32xf32, #tpu.memory_space<hbm>> -> memref<192x32xf32, #tpu.memory_space<hbm>>
        %dma_wait3A_83 = arith.constant 0 : i32
        %dma_wait3A_84 = arith.constant 0 : i32
        %dma_wait3A_85 = tpu.memref_slice %arg4[%run_scoped3A_47, %dma_wait3A_83, %dma_wait3A_84] : memref<2x256x32xf32, #tpu.memory_space<vmem>> -> memref<1x256x32xf32, #tpu.memory_space<vmem>>
        %dma_wait3A_86 = tpu.memref_squeeze %dma_wait3A_85 : memref<1x256x32xf32, #tpu.memory_space<vmem>> -> memref<256x32xf32, #tpu.memory_space<vmem>>
        %dma_wait3A_87 = arith.constant 0 : i32
        %dma_wait3A_88 = arith.constant 0 : i32
        %dma_wait3A_89 = tpu.memref_slice %dma_wait3A_86[%dma_wait3A_87, %dma_wait3A_88] : memref<256x32xf32, #tpu.memory_space<vmem>> -> memref<192x32xf32, #tpu.memory_space<vmem>>
        tpu.wait_dma2 semaphore(%run_scoped3A_50 : memref<!tpu.dma_semaphore, #tpu.memory_space<semaphore_mem>>) src(%dma_wait3A_89 : memref<192x32xf32, #tpu.memory_space<vmem>>) dst(%dma_wait3A_82 : memref<192x32xf32, #tpu.memory_space<hbm>>)
        tpu.yield
      }) : () -> ()
      %run_scoped3A_48 = arith.constant 0 : i32
      "tpu.region"() ({
        %run_scoped3A_50 = tpu.sem_alloc : memref<!tpu.dma_semaphore, #tpu.memory_space<semaphore_mem>>
        %dma_start3A = arith.constant 0 : i32
        %dma_start3A_51 = arith.constant 0 : i32
        %dma_start3A_52 = tpu.memref_slice %arg4[%run_scoped3A_48, %dma_start3A, %dma_start3A_51] : memref<2x256x32xf32, #tpu.memory_space<vmem>> -> memref<1x256x32xf32, #tpu.memory_space<vmem>>
        %dma_start3A_53 = tpu.memref_squeeze %dma_start3A_52 : memref<1x256x32xf32, #tpu.memory_space<vmem>> -> memref<256x32xf32, #tpu.memory_space<vmem>>
        %dma_start3A_54 = arith.constant 0 : i32
        %dma_start3A_55 = arith.constant 0 : i32
        %dma_start3A_56 = tpu.memref_slice %dma_start3A_53[%dma_start3A_54, %dma_start3A_55] : memref<256x32xf32, #tpu.memory_space<vmem>> -> memref<192x32xf32, #tpu.memory_space<vmem>>
        %dma_start3A_57 = arith.constant 999808 : i32
        %dma_start3A_58 = arith.constant 0 : i32
        %dma_start3A_59 = tpu.memref_slice %arg2[%dma_start3A_57, %dma_start3A_58] : memref<1000000x32xf32, #tpu.memory_space<hbm>> -> memref<192x32xf32, #tpu.memory_space<hbm>>
        %dma_start3A_60 = arith.constant 0 : i32
        %dma_start3A_61 = arith.constant 0 : i32
        %dma_start3A_62 = tpu.memref_slice %arg4[%run_scoped3A_48, %dma_start3A_60, %dma_start3A_61] : memref<2x256x32xf32, #tpu.memory_space<vmem>> -> memref<1x256x32xf32, #tpu.memory_space<vmem>>
        %dma_start3A_63 = tpu.memref_squeeze %dma_start3A_62 : memref<1x256x32xf32, #tpu.memory_space<vmem>> -> memref<256x32xf32, #tpu.memory_space<vmem>>
        %dma_start3A_64 = arith.constant 0 : i32
        %dma_start3A_65 = arith.constant 0 : i32
        %dma_start3A_66 = tpu.memref_slice %dma_start3A_63[%dma_start3A_64, %dma_start3A_65] : memref<256x32xf32, #tpu.memory_space<vmem>> -> memref<192x32xf32, #tpu.memory_space<vmem>>
        %dma_start3A_67 = arith.constant 999808 : i32
        %dma_start3A_68 = arith.constant 0 : i32
        %dma_start3A_69 = tpu.memref_slice %arg2[%dma_start3A_67, %dma_start3A_68] : memref<1000000x32xf32, #tpu.memory_space<hbm>> -> memref<192x32xf32, #tpu.memory_space<hbm>>
        tpu.enqueue_dma source(%dma_start3A_69 : memref<192x32xf32, #tpu.memory_space<hbm>>) target(%dma_start3A_66 : memref<192x32xf32, #tpu.memory_space<vmem>>) target_semaphore(%run_scoped3A_50 : memref<!tpu.dma_semaphore, #tpu.memory_space<semaphore_mem>>)
        %dma_wait3A_70 = arith.constant 0 : i32
        %dma_wait3A_71 = arith.constant 0 : i32
        %dma_wait3A_72 = tpu.memref_slice %arg4[%run_scoped3A_48, %dma_wait3A_70, %dma_wait3A_71] : memref<2x256x32xf32, #tpu.memory_space<vmem>> -> memref<1x256x32xf32, #tpu.memory_space<vmem>>
        %dma_wait3A_73 = tpu.memref_squeeze %dma_wait3A_72 : memref<1x256x32xf32, #tpu.memory_space<vmem>> -> memref<256x32xf32, #tpu.memory_space<vmem>>
        %dma_wait3A_74 = arith.constant 0 : i32
        %dma_wait3A_75 = arith.constant 0 : i32
        %dma_wait3A_76 = tpu.memref_slice %dma_wait3A_73[%dma_wait3A_74, %dma_wait3A_75] : memref<256x32xf32, #tpu.memory_space<vmem>> -> memref<192x32xf32, #tpu.memory_space<vmem>>
        %dma_wait3A_77 = arith.constant 999808 : i32
        %dma_wait3A_78 = arith.constant 0 : i32
        %dma_wait3A_79 = tpu.memref_slice %arg2[%dma_wait3A_77, %dma_wait3A_78] : memref<1000000x32xf32, #tpu.memory_space<hbm>> -> memref<192x32xf32, #tpu.memory_space<hbm>>
        %dma_wait3A_80 = arith.constant 0 : i32
        %dma_wait3A_81 = arith.constant 0 : i32
        %dma_wait3A_82 = tpu.memref_slice %arg4[%run_scoped3A_48, %dma_wait3A_80, %dma_wait3A_81] : memref<2x256x32xf32, #tpu.memory_space<vmem>> -> memref<1x256x32xf32, #tpu.memory_space<vmem>>
        %dma_wait3A_83 = tpu.memref_squeeze %dma_wait3A_82 : memref<1x256x32xf32, #tpu.memory_space<vmem>> -> memref<256x32xf32, #tpu.memory_space<vmem>>
        %dma_wait3A_84 = arith.constant 0 : i32
        %dma_wait3A_85 = arith.constant 0 : i32
        %dma_wait3A_86 = tpu.memref_slice %dma_wait3A_83[%dma_wait3A_84, %dma_wait3A_85] : memref<256x32xf32, #tpu.memory_space<vmem>> -> memref<192x32xf32, #tpu.memory_space<vmem>>
        %dma_wait3A_87 = arith.constant 999808 : i32
        %dma_wait3A_88 = arith.constant 0 : i32
        %dma_wait3A_89 = tpu.memref_slice %arg2[%dma_wait3A_87, %dma_wait3A_88] : memref<1000000x32xf32, #tpu.memory_space<hbm>> -> memref<192x32xf32, #tpu.memory_space<hbm>>
        tpu.wait_dma2 semaphore(%run_scoped3A_50 : memref<!tpu.dma_semaphore, #tpu.memory_space<semaphore_mem>>) src(%dma_wait3A_89 : memref<192x32xf32, #tpu.memory_space<hbm>>) dst(%dma_wait3A_86 : memref<192x32xf32, #tpu.memory_space<vmem>>)
        tpu.yield
      }) : () -> ()
      %run_scoped3A_49 = arith.constant 0 : i32
      "tpu.region"() ({
        %run_scoped3A_50 = tpu.sem_alloc : memref<!tpu.dma_semaphore, #tpu.memory_space<semaphore_mem>>
        %dma_start3A = arith.constant 0 : i32
        %dma_start3A_51 = arith.constant 0 : i32
        %dma_start3A_52 = tpu.memref_slice %arg4[%run_scoped3A_49, %dma_start3A, %dma_start3A_51] : memref<2x256x32xf32, #tpu.memory_space<vmem>> -> memref<1x256x32xf32, #tpu.memory_space<vmem>>
        %dma_start3A_53 = tpu.memref_squeeze %dma_start3A_52 : memref<1x256x32xf32, #tpu.memory_space<vmem>> -> memref<256x32xf32, #tpu.memory_space<vmem>>
        %dma_start3A_54 = arith.constant 0 : i32
        %dma_start3A_55 = arith.constant 0 : i32
        %dma_start3A_56 = tpu.memref_slice %dma_start3A_53[%dma_start3A_54, %dma_start3A_55] : memref<256x32xf32, #tpu.memory_space<vmem>> -> memref<192x32xf32, #tpu.memory_space<vmem>>
        %dma_start3A_57 = arith.constant 999808 : i32
        %dma_start3A_58 = arith.constant 0 : i32
        %dma_start3A_59 = tpu.memref_slice %arg3[%dma_start3A_57, %dma_start3A_58] : memref<1000000x32xf32, #tpu.memory_space<hbm>> -> memref<192x32xf32, #tpu.memory_space<hbm>>
        %dma_start3A_60 = arith.constant 999808 : i32
        %dma_start3A_61 = arith.constant 0 : i32
        %dma_start3A_62 = tpu.memref_slice %arg3[%dma_start3A_60, %dma_start3A_61] : memref<1000000x32xf32, #tpu.memory_space<hbm>> -> memref<192x32xf32, #tpu.memory_space<hbm>>
        %dma_start3A_63 = arith.constant 0 : i32
        %dma_start3A_64 = arith.constant 0 : i32
        %dma_start3A_65 = tpu.memref_slice %arg4[%run_scoped3A_49, %dma_start3A_63, %dma_start3A_64] : memref<2x256x32xf32, #tpu.memory_space<vmem>> -> memref<1x256x32xf32, #tpu.memory_space<vmem>>
        %dma_start3A_66 = tpu.memref_squeeze %dma_start3A_65 : memref<1x256x32xf32, #tpu.memory_space<vmem>> -> memref<256x32xf32, #tpu.memory_space<vmem>>
        %dma_start3A_67 = arith.constant 0 : i32
        %dma_start3A_68 = arith.constant 0 : i32
        %dma_start3A_69 = tpu.memref_slice %dma_start3A_66[%dma_start3A_67, %dma_start3A_68] : memref<256x32xf32, #tpu.memory_space<vmem>> -> memref<192x32xf32, #tpu.memory_space<vmem>>
        tpu.enqueue_dma source(%dma_start3A_69 : memref<192x32xf32, #tpu.memory_space<vmem>>) target(%dma_start3A_62 : memref<192x32xf32, #tpu.memory_space<hbm>>) target_semaphore(%run_scoped3A_50 : memref<!tpu.dma_semaphore, #tpu.memory_space<semaphore_mem>>)
        %dma_wait3A_70 = arith.constant 0 : i32
        %dma_wait3A_71 = arith.constant 0 : i32
        %dma_wait3A_72 = tpu.memref_slice %arg4[%run_scoped3A_49, %dma_wait3A_70, %dma_wait3A_71] : memref<2x256x32xf32, #tpu.memory_space<vmem>> -> memref<1x256x32xf32, #tpu.memory_space<vmem>>
        %dma_wait3A_73 = tpu.memref_squeeze %dma_wait3A_72 : memref<1x256x32xf32, #tpu.memory_space<vmem>> -> memref<256x32xf32, #tpu.memory_space<vmem>>
        %dma_wait3A_74 = arith.constant 0 : i32
        %dma_wait3A_75 = arith.constant 0 : i32
        %dma_wait3A_76 = tpu.memref_slice %dma_wait3A_73[%dma_wait3A_74, %dma_wait3A_75] : memref<256x32xf32, #tpu.memory_space<vmem>> -> memref<192x32xf32, #tpu.memory_space<vmem>>
        %dma_wait3A_77 = arith.constant 999808 : i32
        %dma_wait3A_78 = arith.constant 0 : i32
        %dma_wait3A_79 = tpu.memref_slice %arg3[%dma_wait3A_77, %dma_wait3A_78] : memref<1000000x32xf32, #tpu.memory_space<hbm>> -> memref<192x32xf32, #tpu.memory_space<hbm>>
        %dma_wait3A_80 = arith.constant 999808 : i32
        %dma_wait3A_81 = arith.constant 0 : i32
        %dma_wait3A_82 = tpu.memref_slice %arg3[%dma_wait3A_80, %dma_wait3A_81] : memref<1000000x32xf32, #tpu.memory_space<hbm>> -> memref<192x32xf32, #tpu.memory_space<hbm>>
        %dma_wait3A_83 = arith.constant 0 : i32
        %dma_wait3A_84 = arith.constant 0 : i32
        %dma_wait3A_85 = tpu.memref_slice %arg4[%run_scoped3A_49, %dma_wait3A_83, %dma_wait3A_84] : memref<2x256x32xf32, #tpu.memory_space<vmem>> -> memref<1x256x32xf32, #tpu.memory_space<vmem>>
        %dma_wait3A_86 = tpu.memref_squeeze %dma_wait3A_85 : memref<1x256x32xf32, #tpu.memory_space<vmem>> -> memref<256x32xf32, #tpu.memory_space<vmem>>
        %dma_wait3A_87 = arith.constant 0 : i32
        %dma_wait3A_88 = arith.constant 0 : i32
        %dma_wait3A_89 = tpu.memref_slice %dma_wait3A_86[%dma_wait3A_87, %dma_wait3A_88] : memref<256x32xf32, #tpu.memory_space<vmem>> -> memref<192x32xf32, #tpu.memory_space<vmem>>
        tpu.wait_dma2 semaphore(%run_scoped3A_50 : memref<!tpu.dma_semaphore, #tpu.memory_space<semaphore_mem>>) src(%dma_wait3A_89 : memref<192x32xf32, #tpu.memory_space<vmem>>) dst(%dma_wait3A_82 : memref<192x32xf32, #tpu.memory_space<hbm>>)
        tpu.yield
      }) : () -> ()
    } else {
    }
    return
  }
}

</mosaic_0001>

<sc_bundles>
// kernel: kernel.3.cloned.1.call-start
scs
__scs_entry_jumppad:
0x0: {  	(pc) =	sbr.rel $0x88, $3  }
0x1: {  	(tag) =	ssettag $0x0;
	lr =	simm.s32 $0x1  }
0x2: {  	[smem:$0x3FA0] =	sst lr;
	_ =	strace $0xD0000000  }
0x3: {  	_ = 	snop  }
0x4: {  	_ = 	snop  }
0x5: {  	_ = 	snop  }
0x6: {  	_ = 	snop  }
0x7: {  	_ = 	snop  }
__scs_overlays_trampoline_lowered:
0x8: {  	[smem:$0x3FAF] =	sst s0  }
0x9: {  	[smem:$0x3FB0] =	sst s1  }
0xa: {  	[smem:$0x3FB1] =	sst s2  }
0xb: {  	[smem:$0x3FB2] =	sst s3  }
0xc: {  	[smem:$0x3FB3] =	sst s4  }
0xd: {  	[smem:$0x3FB4] =	sst s5  }
0xe: {  	[smem:$0x3FB5] =	sst s6  }
0xf: {  	[smem:$0x3FB6] =	sst s7  }
0x10: {  	[smem:$0x3FB7] =	sst s8  }
0x11: {  	[smem:$0x3FB8] =	sst s9;
	s0 =	simm.s32 @!p0 $0x0  }
0x12: {  	s1 =	sld [smem:$0x3F9E];
	s0 =	simm.s32 @p0 $0x1  }
0x13: {  	[smem:$0x3FB9] =	sst s0;
	s0 =	simm.s32 @!p1 $0x0  }
0x14: {  	s2 =	sld [smem:$0x3F9D];
	s0 =	simm.s32 @p1 $0x1  }
0x15: {  	[smem:$0x3FBA] =	sst s0;
	s0 =	simm.s32 @!p2 $0x0  }
0x16: {  	s3 =	sld [smem:$0x3FDB];
	s0 =	simm.s32 @p2 $0x1  }
0x17: {  	s4 =	simm.s32 $0x1BF5;
	[smem:$0x3FBC] =	sst s0  }
0x18: {  	s0 =	sld [smem:$0x3F9F];
	_ =	swait.ge [sflag:s4], $0x0  }
0x19: {  	s7 =	sld [smem:$0x3FA0]  }
0x1a: {  	s8 =	sadd.s32 $0xFFFFE003, lr  }
0x1b: {  	s9 =	sadd.s32 $0xFFFFFEF7, lr;
	s5 =	simm.s32 $0xFFFFFFFF;
	p2 =	slt.u32 s8, $0xFFFFF086  }
0x1c: {  	p1 =	slt.u32 s9, $0xF7A;
	s5 =	simm.s32 @!p2 $0x0  }
0x1d: {  	s5 =	simm.s32 @p1 $0x1;
	p0 =	seq.s32 s7, s2  }
0x1e: {  	s7 =	smul.u32 @!p0 $0xF7A, s2;
	p2 =	seq.s32 @!p0 s5, $0x0  }
0x1f: {  	s9 =	smul.u32 $0xF7A, s1;
	s8 =	simm.s32 @!p0 $0x1BF5;
	p2 =	por !p2, p0  }
0x20: {  	[sflag:s8] =	ssyncset.s32 @!p0 $0xFFFFF086;
	s6 =	sadd.s32 @!p0 s3, s7;
	s7 =	simm.s32 @!p0 $0x108  }
0x21: {  	s3 =	sadd.s32 s3, s9;
	s6 =	sadd.s32 @!p0 $0x88, s6;
	s7 =	simm.s32 @p2 $0x1082  }
0x22: {  	[simem:s7], [sflag:s8] =	dma.local @!p0 [hbm:s6], $0xF7A  }
0x23: {  	s9 =	sor.u32 $0xD0000000, s2;
	s6 =	simm.s32 $0x108;
	_ =	swait.ge @!p0 [sflag:s8], $0x0  }
0x24: {  	s3 =	sadd.s32 $0x88, s3;
	s6 =	simm.s32 @!p1 $0x1082;
	[sflag:s4] =	ssyncset.s32 $0xFFFFF086  }
0x25: {  	[simem:s6], [sflag:s4] =	dma.local [hbm:s3], $0xF7A  }
0x26: {  	[smem:$0x3FA0] =	sst s1;
	(tag) =	ssettag s2;
	_ =	strace s9  }
0x27: {  	s1 =	sld [smem:$0x3FB0]  }
0x28: {  	s2 =	sld [smem:$0x3FB1]  }
0x29: {  	s4 =	sld [smem:$0x3FB3]  }
0x2a: {  	p0 =	seq.s32 s5, $0x0;
	s5 =	sld [smem:$0x3FB4]  }
0x2b: {  	s6 =	sld [smem:$0x3FB5]  }
0x2c: {  	s7 =	sld [smem:$0x3FB6]  }
0x2d: {  	s3 =	simm.s32 $0x108;
	s8 =	sld [smem:$0x3FB7]  }
0x2e: {  	s3 =	simm.s32 @!p0 $0x1082;
	s9 =	sld [smem:$0x3FB8]  }
0x2f: {  	lr =	sadd.s32 s0, s3;
	s0 =	sld [smem:$0x3FAF]  }
0x30: {  	s3 =	sld [smem:$0x3FB2]  }
0x31: {  	[smem:$0x3FBB] =	sst s10  }
0x32: {  	s10 =	sld [smem:$0x3FB9];
	_ =	sdelay $0x3  }
0x33: {  	p0 =	seq.s32 s10, $0x1;
	s10 =	sld [smem:$0x3FBB];
	_ =	sdelay $0x3  }
0x34: {  	[smem:$0x3FBB] =	sst s10  }
0x35: {  	s10 =	sld [smem:$0x3FBA];
	_ =	sdelay $0x3  }
0x36: {  	p1 =	seq.s32 s10, $0x1;
	s10 =	sld [smem:$0x3FBB];
	_ =	sdelay $0x3  }
0x37: {  	[smem:$0x3FBB] =	sst s10  }
0x38: {  	s10 =	sld [smem:$0x3FBC]  }
0x39: {  	_ = 	snop;
	(pc) =	sbr.ind lr, $3  }
0x3a: {  	_ = 	snop  }
0x3b: {  	_ = 	snop  }
0x3c: {  	p2 =	seq.s32 s10, $0x1;
	s10 =	sld [smem:$0x3FBB]  }
0x3d: {  	_ =	shalt  }
0x3e: {  	_ =	shalt  }
0x3f: {  	_ =	shalt  }
0x40: {  	_ =	shalt  }
0x41: {  	_ =	shalt  }
0x42: {  	_ =	shalt  }
0x43: {  	_ =	shalt  }
0x44: {  	_ =	shalt  }
0x45: {  	_ =	shalt  }
0x46: {  	_ =	shalt  }
0x47: {  	_ =	shalt  }
0x48: {  	_ =	shalt  }
0x49: {  	_ =	shalt  }
0x4a: {  	_ =	shalt  }
0x4b: {  	_ =	shalt  }
0x4c: {  	_ =	shalt  }
0x4d: {  	_ =	shalt  }
0x4e: {  	_ =	shalt  }
0x4f: {  	_ =	shalt  }
0x50: {  	_ =	shalt  }
0x51: {  	_ =	shalt  }
0x52: {  	_ =	shalt  }
0x53: {  	_ =	shalt  }
0x54: {  	_ =	shalt  }
0x55: {  	_ =	shalt  }
0x56: {  	_ =	shalt  }
0x57: {  	_ =	shalt  }
0x58: {  	_ =	shalt  }
0x59: {  	_ =	shalt  }
0x5a: {  	_ =	shalt  }
0x5b: {  	_ =	shalt  }
0x5c: {  	_ =	shalt  }
0x5d: {  	_ =	shalt  }
0x5e: {  	_ =	shalt  }
0x5f: {  	_ =	shalt  }
0x60: {  	_ =	shalt  }
0x61: {  	_ =	shalt  }
0x62: {  	_ =	shalt  }
0x63: {  	_ =	shalt  }
0x64: {  	_ =	shalt  }
0x65: {  	_ =	shalt  }
0x66: {  	_ =	shalt  }
0x67: {  	_ =	shalt  }
0x68: {  	_ =	shalt  }
0x69: {  	_ =	shalt  }
0x6a: {  	_ =	shalt  }
0x6b: {  	_ =	shalt  }
0x6c: {  	_ =	shalt  }
0x6d: {  	_ =	shalt  }
0x6e: {  	_ =	shalt  }
0x6f: {  	_ =	shalt  }
0x70: {  	_ =	shalt  }
0x71: {  	_ =	shalt  }
0x72: {  	_ =	shalt  }
0x73: {  	_ =	shalt  }
0x74: {  	_ =	shalt  }
0x75: {  	_ =	shalt  }
0x76: {  	_ =	shalt  }
0x77: {  	_ =	shalt  }
0x78: {  	_ =	shalt  }
0x79: {  	_ =	shalt  }
0x7a: {  	_ =	shalt  }
0x7b: {  	_ =	shalt  }
0x7c: {  	_ =	shalt  }
0x7d: {  	_ =	shalt  }
0x7e: {  	_ =	shalt  }
0x7f: {  	_ =	shalt  }
0x80: {  	_ =	shalt  }
0x81: {  	_ =	shalt  }
0x82: {  	_ =	shalt  }
0x83: {  	_ =	shalt  }
0x84: {  	_ =	shalt  }
0x85: {  	_ =	shalt  }
0x86: {  	_ =	shalt  }
0x87: {  	_ =	shalt  }
.Lfunc_end0:
.L_simem_size_0:
called_computation_lowered:
.L_overlay_start_0:
0x88: {  	s2 =	sld [smem:$0x3FD9]  }
0x89: {  	s3 =	sld [smem:$0x3FFE];
	_ =	sdelay $0x1  }
0x8a: {  	s1 =	srdreg.scid  }
0x8b: {  	s0 =	sand.u32 $0x1, s1  }
0x8c: {  	s16 =	sshll.u32 s0, $0xA;
	s2 =	sadd.s32 s3, s2  }
0x8d: {  	s2 =	sadd.s32 s2, s16  }
0x8e: {  	[smem:$0x3FC7] =	sst s2  }
0x8f: {  	_ = 	snop  }
0x90: {  	(tm) =	ssettm $0x1  }
0x91: {  	s17 =	sld [smem:$0x3FFB];
	_ =	sdelay $0x3  }
0x92: {  	_ =	strace s17  }
0x93: {  	s2 =	sld [smem:$0x3FFC];
	_ =	sdelay $0x3  }
0x94: {  	_ =	strace s2  }
0x95: {  	s2 =	sld [smem:$0x3FFD];
	_ =	sdelay $0x3  }
0x96: {  	_ =	strace s2  }
0x97: {  	_ =	strace $0x8FFFFFFF  }
0x98: {  	s18 =	sld [smem:$0x3FDB];
	_ =	sdelay $0x1  }
0x99: {  	s19 =	simm.s32 $_scs_section_size  }
0x9a: {  	s4 =	simm.s32 $_size__tile_overlayer_lowered;
	s5 =	simm.s32 $_tile_overlayer_lowered  }
0x9b: {  	s22 =	simm.s32 $0x1BFF;
	s21 =	sshll.u32 s5, $0x1;
	s2 =	sadd.s32 s19, s18  }
0x9c: {  	s6 =	simm.s32 $0x0;
	s20 =	sshll.u32 s4, $0x1;
	s4 =	sadd.s32 s21, s2  }
0x9d: {  	[timem:s6], [sflag:s22] =	dma.local [hbm:s4], s20  }
0x9e: {  	_ =	swait.ge [sflag:s22], s20  }
0x9f: {  	s3 =	ssub.s32 $0x0, s20;
	[sflag:s22] =	ssyncset.done $0x0  }
0xa0: {  	[sflag:s22] =	ssyncadd.s32 s3;
	_ =	sdelay $0x1  }
0xa1: {  	s23 =	simm.s32 $0x1B8B  }
0xa2: {  	_ =	swait.ge [sflag:s23], $0x1  }
0xa3: {  	[sflag:s23] =	ssyncset.done $0x0  }
0xa4: {  	s25 =	simm.s32 $0x1B8E;
	s24 =	sld [smem:$0x3FFE];
	[sflag:s23] =	ssyncadd.s32 $0xFFFFFFFF  }
0xa5: {  	s26 =	simm.s32 $execute0_lowered;
	[smem:$0x3FD2] =	sst s25  }
0xa6: {  	s4 =	sshll.u32 s26, $0x1;
	_ =	strace $0x80000046;
	[dreg:$0x1] =	wrdreg $0xFFFFFFFF  }
0xa7: {  	s28 =	simm.s32 $_size_execute0_lowered;
	s2 =	sadd.s32 s2, s4;
	[dreg:$0x0] =	wrdreg $0x0  }
0xa8: {  	s4 =	sshll.u32 s28, $0x1;
	[dreg:$0x2] =	wrdreg s2  }
0xa9: {  	[dreg:$0x3] =	wrdreg s4  }
0xaa: {  	[dreg:$0x4] =	wrdreg $0xC0  }
0xab: {  	_ =	task [dreg:s6], $0x5FFFF  }
0xac: {  	[dreg:$0x1] =	wrdreg $0xFFFFFFFF  }
0xad: {  	[dreg:$0x0] =	wrdreg $0x60  }
0xae: {  	[dreg:$0x2] =	wrdreg s24  }
0xaf: {  	[dreg:$0x3] =	wrdreg $0x9  }
0xb0: {  	_ =	task.clear_ibuf [dreg:s6], $0x4FFFF;
	_ =	strace $0x90000046  }
0xb1: {  	s29 =	simm.s32 $0x9;
	_ =	strace $0x80000048  }
0xb2: {  	_ =	swait.ge [sflag:s29], $0x1  }
0xb3: {  	[sflag:s29] =	ssyncadd.s32 $0xFFFFFFFF  }
0xb4: {  	_ =	strace $0x90000048  }
0xb5: {  	_ =	sfence  }
0xb6: {  	s30 =	sld [smem:$0x0];
	_ =	sdelay $0x2  }
0xb7: {  	s31 =	sshll.u32 s1, $0xD;
	s1 =	sshrl.u32 s1, $0x2  }
0xb8: {  	s3 =	sand.u32 $0x4000, s31;
	s1 =	sadd.s32 s1, s30  }
0xb9: {  	s0 =	sor.u32 s3, s0;
	s1 =	sshll.u32 s1, $0x11  }
0xba: {  	s0 =	sor.u32 s1, s0  }
0xbb: {  	s0 =	sadd.s32 $0x8F2B, s0  }
0xbc: {  	[sflag:s0] =	ssyncadd.remote.s32 $0x1  }
0xbd: {  	_ =	sfence.sel $0xFFFF  }
0xbe: {  	[dreg:$0x0] =	wrdreg $0xFFFFFFFF;
	(pc) =	sbr.abs _section_cstart, $3  }
0xbf: {  	[dreg:$0x1] =	wrdreg $0xFFFFFFFF  }
0xc0: {  	_ =	task.clear_ibuf [dreg:s6], $0x2FFFF;
	_ =	strace $0x9FFFFFFF  }
0xc1: {  	(tm) =	ssettm $0x7FFFFFFF  }
tec
execute0_lowered:
.L_overlay_start_1:
0x0: {  	(tag) =	ssettag $0x1  }
0x1: {  	s8 =	rddreg [dreg:$0x0];
	s2 =	simm.s32 $0x0  }
0x2: {  	s3 =	srdreg.scid;
	s1 =	stileid.u32;
	s19 =	simm.s32 $0x4  }
0x3: {  	s20 =	simm.s32 $0x0;
	[smem:$0x7FF] =	sst s2;
	s6 =	sand.u32 $0x1, s3  }
0x4: {  	s31 =	sshll.u32 s1, $0x1;
	s14 =	sadd.s32 $0xF42800, s8;
	s3 =	sadd.s32 $0xF40400, s8  }
0x5: {  	s15 =	sadd.s32 $0x400, s8;
	s4 =	sadd.s32 $0x1E82800, s8;
	s11 =	smul.u32 $0x7A0000, s1  }
0x6: {  	_ =	strace $0x80000047;
	s18 =	sor.u32 s6, s31;
	s12 =	smul.u32 $0x3D0000, s6  }
0x7: {  	s5 =	ssub.s32 $0x2, s6;
	s6 =	sadd.s32 $0xF41000, s8;
	s10 =	smul.u32 $0x3D0000, s18  }
0x8: {  	s7 =	sshrl.u32 s5, $0x1;
	p0 =	sne.s32 s18, $0x0;
	s18 =	simm.s32 $0x3  }
0x9: {  	s9 =	ssub.s32 s5, s7;
	s5 =	sadd.s32 $0x1E83400, s8;
	s7 =	sadd.s32 $0xF41C00, s8  }
0xa: {  	s8 =	sadd.s32 $0x1E84000, s8;
	s11 =	sadd.s32 s12, s11;
	s13 =	sshrl.u32 s10, $0x3  }
0xb: {  	s9 =	smax.u32 s9, $0x1;
	s17 =	sadd.s32 $0x10000, s11;
	s10 =	sadd.s32 s15, s13  }
0xc: {  	s16 =	sor.u32 $0x1000, s13;
	s11 =	sadd.s32 s14, s13;
	s17 =	sshrl.u32 s17, $0x3  }
0xd: {  	s12 =	sadd.s32 s15, s16;
	s13 =	sadd.s32 s14, s16;
	s14 =	sadd.s32 s17, s14  }
0xe: {  	s15 =	sadd.s32 s17, s15;
	s16 =	simm.s32 $0x1;
	s17 =	simm.s32 $0x8000  }
.LBB2_1:
0xf: {  	[tilespmem:s2], [sflag:$0x1] =	stream.linear.gather [hbm4b:s10+s2], $0x8000, $0x38;
	[tilespmem:$0x10000] =	vst v63  }
0x10: {  	_ =	swait.ge [sflag:s16], $0x8000  }
0x11: {  	[sflag:s16] =	ssyncset.done $0x0  }
0x12: {  	[sflag:s16] =	ssyncadd.s32 $0xFFFF8000  }
0x13: {  	[hbm4b:s11+s2] =	stream.linear.scatter [tilespmem:s2], [sflag:$0x3], $0x8000, $0x38;
	[tilespmem:$0x10000] =	vst v63  }
0x14: {  	s21 =	simm.s32 $0x2  }
0x15: {  	[tilespmem:s17], [sflag:$0x2] =	stream.linear.gather [hbm4b:s12+s2], $0x8000, $0x38;
	[tilespmem:$0x10000] =	vst v63  }
0x16: {  	_ =	swait.ge [sflag:s21], $0x8000  }
0x17: {  	[sflag:s21] =	ssyncset.done $0x0  }
0x18: {  	[sflag:s21] =	ssyncadd.s32 $0xFFFF8000;
	s21 =	sand.u32 $0x1, s21  }
0x19: {  	[hbm4b:s13+s2] =	stream.linear.scatter [tilespmem:s17], [sflag:$0x4], $0x8000, $0x38;
	[tilespmem:$0x10000] =	vst v63  }
0x1a: {  	s22 =	sadd.s32 $0x3, s21  }
0x1b: {  	_ =	swait.ge [sflag:s22], $0x8000  }
0x1c: {  	s24 =	simm.s32 $0x3;
	s29 =	simm.s32 $0x4;
	[sflag:s22] =	ssyncset.done $0x0  }
0x1d: {  	s25 =	sshll.u32 s21, $0xF;
	s28 =	sadd.s32 $0x1, s21;
	[sflag:s22] =	ssyncadd.s32 $0xFFFF8000  }
0x1e: {  	[tilespmem:s25], [sflag:s28] =	stream.linear.gather [hbm4b:s15+s2], $0x8000, $0x38;
	[tilespmem:$0x10000] =	vst v63  }
0x1f: {  	s23 =	sadd.s32 $0x1000, s15;
	s26 =	smov.u32 s14;
	_ =	swait.ge [sflag:s28], $0x8000  }
0x20: {  	s24 =	sand.u32 $0x1, s24;
	s21 =	sadd.s32 $0x1000, s14;
	[sflag:s28] =	ssyncset.done $0x0  }
.LBB2_2:
0x21: {  	s30 =	sadd.s32 $0x3, s24  }
0x22: {  	[sflag:s28] =	ssyncadd.s32 $0xFFFF8000;
	s31 =	smov.u32 s29;
	s0 =	sadd.s32 $0x1, s29  }
0x23: {  	[hbm4b:s26+s2] =	stream.linear.scatter [tilespmem:s25], [sflag:s22], $0x8000, $0x38;
	[tilespmem:$0x10000] =	vst v63  }
0x24: {  	p1 =	sne.s32 s29, $0x79;
	s22 =	smov.u32 s30;
	_ =	swait.ge [sflag:s30], $0x8000  }
.Ltmp0:
0x25: {  	s26 =	smov.u32 s21;
	[sflag:s22] =	ssyncset.done $0x0;
	(pc) =	sbr.rel @p1 .LBB2_2-.Ltmp0, $4  }
0x26: {  	s28 =	sadd.s32 $0x1, s24;
	s25 =	sshll.u32 s24, $0xF;
	[sflag:s22] =	ssyncadd.s32 $0xFFFF8000  }
0x27: {  	[tilespmem:s25], [sflag:s28] =	stream.linear.gather [hbm4b:s23+s2], $0x8000, $0x38;
	[tilespmem:$0x10000] =	vst v63  }
0x28: {  	s24 =	sand.u32 $0x1, s31;
	s23 =	sadd.s32 $0x1000, s23;
	_ =	swait.ge [sflag:s28], $0x8000  }
0x29: {  	s21 =	sadd.s32 $0x1000, s21;
	s29 =	smov.u32 s0;
	[sflag:s28] =	ssyncset.done $0x0  }
0x2a: {  	s0 =	sadd.s32 $0x3, s24;
	[sflag:s28] =	ssyncadd.s32 $0xFFFF8000  }
0x2b: {  	[hbm4b:s26+s2] =	stream.linear.scatter [tilespmem:s25], [sflag:s22], $0x8000, $0x38;
	[tilespmem:$0x10000] =	vst v63  }
0x2c: {  	_ =	swait.ge [sflag:s0], $0x8000  }
0x2d: {  	[sflag:s0] =	ssyncset.done $0x0  }
0x2e: {  	s30 =	sshll.u32 s24, $0xF;
	s31 =	sadd.s32 $0x1, s24;
	[sflag:s0] =	ssyncadd.s32 $0xFFFF8000  }
0x2f: {  	[tilespmem:s30], [sflag:s31] =	stream.linear.gather [hbm4b:s23+s2], $0x8000, $0x38;
	[tilespmem:$0x10000] =	vst v63  }
0x30: {  	_ =	swait.ge [sflag:s31], $0x8000  }
0x31: {  	[sflag:s31] =	ssyncset.done $0x0  }
0x32: {  	[sflag:s31] =	ssyncadd.s32 $0xFFFF8000  }
0x33: {  	[hbm4b:s21+s2] =	stream.linear.scatter [tilespmem:s30], [sflag:s0], $0x8000, $0x38;
	[tilespmem:$0x10000] =	vst v63  }
0x34: {  	_ =	swait.ge [sflag:s18], $0x8000  }
0x35: {  	[sflag:s18] =	ssyncset.done $0x0  }
0x36: {  	[sflag:s18] =	ssyncadd.s32 $0xFFFF8000  }
0x37: {  	_ =	swait.ge [sflag:s19], $0x8000  }
0x38: {  	[sflag:s19] =	ssyncset.done $0x0  }
0x39: {  	s0 =	simm.s32 @!p0 $0x0;
	s21 =	simm.s32 @!p0 $0x5;
	[sflag:s19] =	ssyncadd.s32 $0xFFFF8000  }
0x3a: {  	[tilespmem:s0], [sflag:$0x5] =	stream.linear.gather @!p0 [hbm4b:s3+s0], $0x6000, $0x38;
	[tilespmem:$0x10000] =	vst v63  }
0x3b: {  	_ =	swait.ge @!p0 [sflag:s21], $0x6000  }
0x3c: {  	[sflag:s21] =	ssyncset.done @!p0 $0x0  }
0x3d: {  	[sflag:s21] =	ssyncadd.s32 @!p0 $0xFFFFA000  }
0x3e: {  	[hbm4b:s4+s0] =	stream.linear.scatter @!p0 [tilespmem:s0], [sflag:$0x5], $0x6000, $0x38;
	[tilespmem:$0x10000] =	vst v63  }
0x3f: {  	_ =	swait.ge @!p0 [sflag:s21], $0x6000  }
0x40: {  	[sflag:s21] =	ssyncset.done @!p0 $0x0  }
0x41: {  	[sflag:s21] =	ssyncadd.s32 @!p0 $0xFFFFA000  }
0x42: {  	[tilespmem:s0], [sflag:$0x5] =	stream.linear.gather @!p0 [hbm4b:s6+s0], $0x6000, $0x38;
	[tilespmem:$0x10000] =	vst v63  }
0x43: {  	_ =	swait.ge @!p0 [sflag:s21], $0x6000  }
0x44: {  	[sflag:s21] =	ssyncset.done @!p0 $0x0  }
0x45: {  	[sflag:s21] =	ssyncadd.s32 @!p0 $0xFFFFA000  }
0x46: {  	[hbm4b:s5+s0] =	stream.linear.scatter @!p0 [tilespmem:s0], [sflag:$0x5], $0x6000, $0x38;
	[tilespmem:$0x10000] =	vst v63  }
0x47: {  	_ =	swait.ge @!p0 [sflag:s21], $0x6000  }
0x48: {  	[sflag:s21] =	ssyncset.done @!p0 $0x0  }
0x49: {  	[sflag:s21] =	ssyncadd.s32 @!p0 $0xFFFFA000  }
0x4a: {  	[tilespmem:s0], [sflag:$0x5] =	stream.linear.gather @!p0 [hbm4b:s7+s0], $0x6000, $0x38;
	[tilespmem:$0x10000] =	vst v63  }
0x4b: {  	s20 =	sadd.s32 $0x1, s20;
	_ =	swait.ge @!p0 [sflag:s21], $0x6000  }
0x4c: {  	p1 =	sne.s32 s20, s9;
	[sflag:s21] =	ssyncset.done @!p0 $0x0  }
.Ltmp1:
0x4d: {  	[sflag:s21] =	ssyncadd.s32 @!p0 $0xFFFFA000;
	(pc) =	sbr.rel @p1 .LBB2_1-.Ltmp1, $4  }
0x4e: {  	[hbm4b:s8+s0] =	stream.linear.scatter @!p0 [tilespmem:s0], [sflag:$0x5], $0x6000, $0x38;
	[tilespmem:$0x10000] =	vst v63  }
0x4f: {  	_ =	swait.ge @!p0 [sflag:s21], $0x6000  }
0x50: {  	[sflag:s21] =	ssyncset.done @!p0 $0x0  }
0x51: {  	[sflag:s21] =	ssyncadd.s32 @!p0 $0xFFFFA000  }
0x52: {  	_ =	sfence.sel $0x180000  }
0x53: {  	[bflag:$0x0] =	sbarrier.arrive $0xFFFF  }
0x54: {  	_ =	strace $0x90000047  }
0x55: {  	[bflag:$0x2] =	sbarrier.arrive $0xFFFF  }
0x56: {  	p0 =	sne.s32 s1, $0x0;
	s0 =	rddreg [dreg:$0x1]  }
0x57: {  	s0 =	sadd.s32 @!p0 $0x100000, s0  }
0x58: {  	[sflag:s0] =	ssyncadd.tile.s32 @!p0 $0x1;
	_ =	shalt  }
.Lfunc_end2:
_tile_overlayer_lowered:
.L_overlay_start_2:
0x59: {  	(tag) =	ssettag $0x2  }
0x5a: {  	s0 =	rddreg [dreg:$0x0];
	s2 =	stileid.u32  }
0x5b: {  	s1 =	rddreg [dreg:$0x1];
	p0 =	sne.s32 s2, $0x0  }
0x5c: {  	s3 =	rddreg [dreg:$0x2];
	[bflag:$0x3] =	sbarrier.arrive $0xFFFF;
	s2 =	simm.s32 @!p0 $0x1C05  }
0x5d: {  	[timem:s3], [sflag:s2] =	dma.local @!p0 [hbm:s0], s1  }
0x5e: {  	s0 =	simm.s32 @!p0 $0x5  }
0x5f: {  	_ =	swait.ge @!p0 [sflag:s0], s1  }
0x60: {  	s1 =	ssub.s32 @!p0 $0x0, s1;
	[sflag:s0] =	ssyncset.done @!p0 $0x0  }
0x61: {  	[sflag:s0] =	ssyncadd.s32 @!p0 s1  }
0x62: {  	[bflag:$0x3] =	sbarrier.arrive $0xFFFF  }
0x63: {  	_ =	shalt  }

</sc_bundles>
